<compile_context>
chip_gen: v7x
topology: tpu7x:2x2x1
jax: 0.10.2.dev20260603
libtpu: 0.0.44.dev20260713+nightly
codegen_flags: <defaults>
</compile_context>

<pallas_src>
import functools

import jax
import jax.numpy as jnp
import numpy as np
from jax import lax
from jax.experimental import pallas as pl
from jax.experimental.pallas import tpu as pltpu
from jax.experimental.pallas import tpu_sc as plsc

_G = 20000
_SETS = 64
_B = 8
_LANES = 16
_CHUNKS = _G // _LANES


@functools.partial(
    pl.kernel,
    out_type=jax.ShapeDtypeStruct((_B, _G), jnp.float32),
    mesh=plsc.VectorSubcoreMesh(core_axis_name="c", subcore_axis_name="s",
                                num_cores=1),
    scratch_types=[
        pltpu.VMEM((_G,), jnp.int32),
        pltpu.VMEM((_G,), jnp.float32),
    ],
    compiler_params=pltpu.CompilerParams(needs_layout_passes=False),
)
def _rank_weights(s_hbm, t_hbm, idx_v, row_v):
    wid = lax.axis_index("s") + lax.axis_index("c")

    @pl.when(wid < _B)
    def _():
        pltpu.sync_copy(s_hbm.at[wid], idx_v)
        iota = lax.iota(jnp.int32, _LANES)

        @plsc.parallel_loop(0, _CHUNKS, unroll=16)
        def _loop(i):
            base = i * _LANES
            idx = idx_v[pl.ds(base, _LANES)]
            vals = (_G - base) - iota
            plsc.store_scatter(row_v, [idx], vals.astype(jnp.float32))

        pltpu.sync_copy(row_v, t_hbm.at[wid])


def _es_body(r_ref, t_ref, sm_ref, out_ref):
    ind = jax.nn.sigmoid(sm_ref[...])
    avg = jnp.mean(ind, axis=1, keepdims=True)
    ind = jnp.where(ind < avg * 0.3, ind * 0.01, ind)
    ia = lax.rsqrt(lax.rsqrt(ind))
    neg = (ind < 0.1).astype(jnp.float32)
    ra = lax.rsqrt(lax.rsqrt(r_ref[...]))
    t = t_ref[...]
    lhs = jnp.concatenate([ra * t, ra, t], axis=0)
    dn = (((1,), (1,)), ((), ()))
    lhs_hi = lhs.astype(jnp.bfloat16)
    lhs_lo = (lhs - lhs_hi.astype(jnp.float32)).astype(jnp.bfloat16)
    ia_hi = ia.astype(jnp.bfloat16)
    ia_lo = (ia - ia_hi.astype(jnp.float32)).astype(jnp.bfloat16)
    big_lhs = jnp.concatenate([lhs_hi, lhs_lo], axis=0)
    big_rhs = jnp.concatenate([ia_hi, neg.astype(jnp.bfloat16), ia_lo], axis=0)
    res = lax.dot_general(big_lhs, big_rhs, dn,
                          preferred_element_type=jnp.float32)
    sum01 = res[0:24, :] + res[24:48, :]
    num_pos = sum01[0:8, 0:64] + res[0:8, 128:192]
    den_pos = sum01[8:16, 0:64] + res[8:16, 128:192]
    num_neg = sum01[16:24, 64:128]
    den_neg = jnp.sum(neg, axis=1)[None, :]
    p = num_pos / (den_pos + 1e-10)
    n = jnp.where(den_neg > 1e-8, num_neg / (den_neg + 1e-10), 0.0)
    out_ref[...] = (p - n) / np.float32(_G)


_es_call = pl.pallas_call(
    _es_body,
    out_shape=jax.ShapeDtypeStruct((_B, _SETS), jnp.float32),
)


def kernel(R, S, set_membership):
    t = _rank_weights(S)
    return _es_call(R, t, set_membership)

# --- scband reference (transcript-rebuilt; emitter-appended) ---
"""Pipeline reference for scband-trainable-gene-set-layer-43121471652195 (READ-ONLY COPY).

The authoritative reference and input builder live on the scoring server;
editing this copy changes nothing except your own understanding.
"""

import jax, jax.numpy as jnp
import numpy as np

NUM_GENES = 20000
NUM_SETS = 64
BATCH = 8
ALPHA = 0.25


def setup_inputs(seed: int = 0) -> dict:
    key = jax.random.key(seed)
    k1, k2, k3 = jax.random.split(key, 3)
    R = jax.random.uniform(k1, (BATCH, NUM_GENES), dtype=jnp.float32)
    # S is a per-sample permutation of gene indices (sort order), values in [0, NUM_GENES)
    S = jnp.argsort(jax.random.uniform(k2, (BATCH, NUM_GENES)), axis=1).astype(jnp.int32)
    # learned parameter: set membership logits (num_sets, num_genes)
    set_membership = jax.random.normal(k3, (NUM_SETS, NUM_GENES), dtype=jnp.float32)
    return {"R": R, "S": S, "set_membership": set_membership}


def _get_set_indicators(set_membership):
    indicators = jax.nn.sigmoid(set_membership)
    avg = jnp.mean(indicators, axis=1, keepdims=True)
    indicators = jnp.where(indicators < avg * 0.3, indicators * 0.01, indicators)
    return indicators


def reference(R, S, set_membership):
    batch_size, num_genes = R.shape
    indicators = _get_set_indicators(set_membership)  # (num_sets, num_genes)
    # sorted_indicators[b, s, g] = indicators[s, S[b, g]]
    sorted_indicators = jnp.transpose(jnp.take(indicators, S, axis=1), (1, 0, 2))  # (B, sets, genes)
    # R_sorted[b, s, g] = R[b, S[b, g]] (broadcast over sets)
    R_sorted = jnp.take_along_axis(R, S, axis=1)[:, None, :]  # (B, 1, genes)
    clamped_input = jnp.clip(R_sorted * sorted_indicators, 1e-08, 10000.0)
    weighted_pos = clamped_input ** ALPHA
    sum_weighted_pos = jnp.sum(weighted_pos, axis=2, keepdims=True)
    cumsum_pos = jnp.cumsum(weighted_pos, axis=2)
    valid_pos = sum_weighted_pos > 1e-08
    step_cdf_pos = jnp.where(valid_pos, cumsum_pos / (sum_weighted_pos + 1e-10), jnp.zeros_like(cumsum_pos))
    neg_indicators = (sorted_indicators < 0.1).astype(jnp.float32)
    sum_neg = jnp.sum(neg_indicators, axis=2, keepdims=True)
    cumsum_neg = jnp.cumsum(neg_indicators, axis=2)
    valid_neg = sum_neg > 1e-08
    step_cdf_neg = jnp.where(valid_neg, cumsum_neg / (sum_neg + 1e-10), jnp.zeros_like(cumsum_neg))
    diff = (step_cdf_pos - step_cdf_neg) / num_genes
    es_scores = jnp.sum(diff, axis=2)
    return es_scores

if __name__ == "__main__":
    import jax
    _d = setup_inputs()
    print(jax.jit(kernel)(*tuple(_d.values())))

</pallas_src>

<mosaic_0001>
#map = affine_map<(d0, d1) -> (0, 0)>
module attributes {stable_mosaic.version = 14 : i64} {
  func.func @_rank_weights(%arg0: i32, %arg1: i32, %arg2: memref<8x20000xi32, #tpu.memory_space<hbm>>, %arg3: memref<8x20000xf32, #tpu.memory_space<hbm>>, %arg4: memref<20000xi32, #tpu.memory_space<vmem>>, %arg5: memref<20000xf32, #tpu.memory_space<vmem>>) attributes {dimension_semantics = [#tpu.dimension_semantics<core_parallel>, #tpu.dimension_semantics<subcore_parallel>], iteration_bounds = array<i64: 1, 16>, scalar_prefetch = 0 : i64, scratch_operands = 2 : i64, tpu.core_type = #tpu.core_type<sc_vector_subcore>, window_params = [{transform_indices = #map}, {transform_indices = #map}]} {
    %add3A = arith.addi %arg1, %arg0 : i32
    %lt3A = arith.constant 8 : i32
    %lt3A_0 = arith.cmpi slt, %add3A, %lt3A : i32
    %convert_element_type3A = arith.extui %lt3A_0 : i1 to i32
    %cond3A = arith.constant 0 : i32
    %cond3A_1 = arith.cmpi ne, %convert_element_type3A, %cond3A : i32
    scf.if %cond3A_1 {
      "tpu.region"() ({
        %run_scoped3A = tpu.sem_alloc : memref<!tpu.dma_semaphore, #tpu.memory_space<semaphore_mem>>
        %dma_start3A = arith.constant 0 : i32
        %dma_start3A_4 = tpu.memref_slice %arg2[%add3A, %dma_start3A] : memref<8x20000xi32, #tpu.memory_space<hbm>> -> memref<1x20000xi32, #tpu.memory_space<hbm>>
        %dma_start3A_5 = tpu.memref_squeeze %dma_start3A_4 : memref<1x20000xi32, #tpu.memory_space<hbm>> -> memref<20000xi32, #tpu.memory_space<hbm>>
        %dma_start3A_6 = arith.constant 0 : i32
        %dma_start3A_7 = tpu.memref_slice %arg2[%add3A, %dma_start3A_6] : memref<8x20000xi32, #tpu.memory_space<hbm>> -> memref<1x20000xi32, #tpu.memory_space<hbm>>
        %dma_start3A_8 = tpu.memref_squeeze %dma_start3A_7 : memref<1x20000xi32, #tpu.memory_space<hbm>> -> memref<20000xi32, #tpu.memory_space<hbm>>
        tpu.enqueue_dma source(%dma_start3A_8 : memref<20000xi32, #tpu.memory_space<hbm>>) target(%arg4 : memref<20000xi32, #tpu.memory_space<vmem>>) target_semaphore(%run_scoped3A : memref<!tpu.dma_semaphore, #tpu.memory_space<semaphore_mem>>)
        %dma_wait3A = arith.constant 0 : i32
        %dma_wait3A_9 = tpu.memref_slice %arg2[%add3A, %dma_wait3A] : memref<8x20000xi32, #tpu.memory_space<hbm>> -> memref<1x20000xi32, #tpu.memory_space<hbm>>
        %dma_wait3A_10 = tpu.memref_squeeze %dma_wait3A_9 : memref<1x20000xi32, #tpu.memory_space<hbm>> -> memref<20000xi32, #tpu.memory_space<hbm>>
        %dma_wait3A_11 = arith.constant 0 : i32
        %dma_wait3A_12 = tpu.memref_slice %arg2[%add3A, %dma_wait3A_11] : memref<8x20000xi32, #tpu.memory_space<hbm>> -> memref<1x20000xi32, #tpu.memory_space<hbm>>
        %dma_wait3A_13 = tpu.memref_squeeze %dma_wait3A_12 : memref<1x20000xi32, #tpu.memory_space<hbm>> -> memref<20000xi32, #tpu.memory_space<hbm>>
        tpu.wait_dma2 semaphore(%run_scoped3A : memref<!tpu.dma_semaphore, #tpu.memory_space<semaphore_mem>>) src(%dma_wait3A_13 : memref<20000xi32, #tpu.memory_space<hbm>>) dst(%arg4 : memref<20000xi32, #tpu.memory_space<vmem>>)
        tpu.yield
      }) : () -> ()
      %iota3A = tpu.iota {dimensions = array<i32: 0>} : vector<16xi32>
      %parallel_loop3A = arith.constant 0 : i32
      %parallel_loop3A_2 = arith.constant 1250 : i32
      %parallel_loop3A_3 = arith.constant 1 : i32
      scf.for %parallel_loop3A_4 = %parallel_loop3A to %parallel_loop3A_2 step %parallel_loop3A_3  : i32 {
        %parallel_loop3A_5 = arith.constant 16 : i32
        %parallel_loop3A_6 = arith.muli %parallel_loop3A_4, %parallel_loop3A_5 : i32
        %parallel_loop3A_7 = arith.index_cast %parallel_loop3A_6 : i32 to index
        %parallel_loop3A_8 = tpu.vector_load %arg4[%parallel_loop3A_7] {strides = array<i32>} : memref<20000xi32, #tpu.memory_space<vmem>>, vector<16xi32>,
        %parallel_loop3A_9 = arith.constant 20000 : i32
        %parallel_loop3A_10 = arith.subi %parallel_loop3A_9, %parallel_loop3A_6 : i32
        %parallel_loop3A_11 = vector.broadcast %parallel_loop3A_10 : i32 to vector<16xi32>
        %parallel_loop3A_12 = arith.subi %parallel_loop3A_11, %iota3A : vector<16xi32>
        %parallel_loop3A_13 = arith.sitofp %parallel_loop3A_12 : vector<16xi32> to vector<16xf32>
        tpu.vector_store_idx %arg5[%parallel_loop3A_8], %parallel_loop3A_13 : memref<20000xf32, #tpu.memory_space<vmem>>[vector<16xi32>], vector<16xf32>,
      } {sc.loop_unroll_factor = 16 : i64, sc.parallel_access}
      "tpu.region"() ({
        %run_scoped3A = tpu.sem_alloc : memref<!tpu.dma_semaphore, #tpu.memory_space<semaphore_mem>>
        %dma_start3A = arith.constant 0 : i32
        %dma_start3A_4 = tpu.memref_slice %arg3[%add3A, %dma_start3A] : memref<8x20000xf32, #tpu.memory_space<hbm>> -> memref<1x20000xf32, #tpu.memory_space<hbm>>
        %dma_start3A_5 = tpu.memref_squeeze %dma_start3A_4 : memref<1x20000xf32, #tpu.memory_space<hbm>> -> memref<20000xf32, #tpu.memory_space<hbm>>
        %dma_start3A_6 = arith.constant 0 : i32
        %dma_start3A_7 = tpu.memref_slice %arg3[%add3A, %dma_start3A_6] : memref<8x20000xf32, #tpu.memory_space<hbm>> -> memref<1x20000xf32, #tpu.memory_space<hbm>>
        %dma_start3A_8 = tpu.memref_squeeze %dma_start3A_7 : memref<1x20000xf32, #tpu.memory_space<hbm>> -> memref<20000xf32, #tpu.memory_space<hbm>>
        tpu.enqueue_dma source(%arg5 : memref<20000xf32, #tpu.memory_space<vmem>>) target(%dma_start3A_8 : memref<20000xf32, #tpu.memory_space<hbm>>) target_semaphore(%run_scoped3A : memref<!tpu.dma_semaphore, #tpu.memory_space<semaphore_mem>>)
        %dma_wait3A = arith.constant 0 : i32
        %dma_wait3A_9 = tpu.memref_slice %arg3[%add3A, %dma_wait3A] : memref<8x20000xf32, #tpu.memory_space<hbm>> -> memref<1x20000xf32, #tpu.memory_space<hbm>>
        %dma_wait3A_10 = tpu.memref_squeeze %dma_wait3A_9 : memref<1x20000xf32, #tpu.memory_space<hbm>> -> memref<20000xf32, #tpu.memory_space<hbm>>
        %dma_wait3A_11 = arith.constant 0 : i32
        %dma_wait3A_12 = tpu.memref_slice %arg3[%add3A, %dma_wait3A_11] : memref<8x20000xf32, #tpu.memory_space<hbm>> -> memref<1x20000xf32, #tpu.memory_space<hbm>>
        %dma_wait3A_13 = tpu.memref_squeeze %dma_wait3A_12 : memref<1x20000xf32, #tpu.memory_space<hbm>> -> memref<20000xf32, #tpu.memory_space<hbm>>
        tpu.wait_dma2 semaphore(%run_scoped3A : memref<!tpu.dma_semaphore, #tpu.memory_space<semaphore_mem>>) src(%arg5 : memref<20000xf32, #tpu.memory_space<vmem>>) dst(%dma_wait3A_13 : memref<20000xf32, #tpu.memory_space<hbm>>)
        tpu.yield
      }) : () -> ()
    } else {
    }
    return
  }
}

module attributes {stable_mosaic.version = 14 : i64} {
  func.func @_es_body(%arg0: memref<8x20000xf32, #tpu.memory_space<vmem>>, %arg1: memref<8x20000xf32, #tpu.memory_space<vmem>>, %arg2: memref<64x20000xf32, #tpu.memory_space<vmem>>, %arg3: memref<8x64xf32, #tpu.memory_space<vmem>>) attributes {dimension_semantics = [], scalar_prefetch = 0 : i64, scratch_operands = 0 : i64, tpu.core_type = #tpu.core_type<tc>} {
    %get3A = arith.constant 0 : index
    %get3A_0 = arith.constant 0 : index
    %get3A_1 = vector.load %arg2[%get3A, %get3A_0] : memref<64x20000xf32, #tpu.memory_space<vmem>>, vector<64x20000xf32>
    %logistic3A = arith.negf %get3A_1 : vector<64x20000xf32>
    %logistic3A_2 = math.exp %logistic3A : vector<64x20000xf32>
    %logistic3A_3 = arith.constant 1.000000e+00 : f32
    %logistic3A_4 = vector.broadcast %logistic3A_3 : f32 to vector<64x20000xf32>
    %logistic3A_5 = arith.addf %logistic3A_4, %logistic3A_2 : vector<64x20000xf32>
    %logistic3A_6 = arith.divf %logistic3A_4, %logistic3A_5 : vector<64x20000xf32>
    %reduce_sum3A = arith.constant dense<0.000000e+00> : vector<64xf32>
    %reduce_sum3A_7 = vector.multi_reduction <add>, %logistic3A_6, %reduce_sum3A [1] : vector<64x20000xf32> to vector<64xf32>
    %broadcast_in_dim3A = vector.shape_cast %reduce_sum3A_7 : vector<64xf32> to vector<64x1xf32>
    %div3A = arith.constant 2.000000e+04 : f32
    %div3A_8 = vector.broadcast %div3A : f32 to vector<64x1xf32>
    %div3A_9 = arith.divf %broadcast_in_dim3A, %div3A_8 : vector<64x1xf32>
    %mul3A = arith.constant 3.000000e-01 : f32
    %mul3A_10 = vector.broadcast %mul3A : f32 to vector<64x1xf32>
    %mul3A_11 = arith.mulf %div3A_9, %mul3A_10 : vector<64x1xf32>
    %lt3A = vector.broadcast %mul3A_11 : vector<64x1xf32> to vector<64x20000xf32>
    %lt3A_12 = arith.cmpf olt, %logistic3A_6, %lt3A : vector<64x20000xf32>
    %mul3A_13 = arith.constant 0.00999999977 : f32
    %mul3A_14 = vector.broadcast %mul3A_13 : f32 to vector<64x20000xf32>
    %mul3A_15 = arith.mulf %logistic3A_6, %mul3A_14 : vector<64x20000xf32>
    %select_n3A = arith.select %lt3A_12, %mul3A_15, %logistic3A_6 : vector<64x20000xi1>, vector<64x20000xf32>
    %rsqrt3A = math.rsqrt %select_n3A : vector<64x20000xf32>
    %rsqrt3A_16 = math.rsqrt %rsqrt3A : vector<64x20000xf32>
    %lt3A_17 = arith.constant 1.000000e-01 : f32
    %lt3A_18 = vector.broadcast %lt3A_17 : f32 to vector<64x20000xf32>
    %lt3A_19 = arith.cmpf olt, %select_n3A, %lt3A_18 : vector<64x20000xf32>
    %convert_element_type3A = arith.extui %lt3A_19 : vector<64x20000xi1> to vector<64x20000xi32>
    %convert_element_type3A_20 = arith.sitofp %convert_element_type3A : vector<64x20000xi32> to vector<64x20000xf32>
    %get3A_21 = arith.constant 0 : index
    %get3A_22 = arith.constant 0 : index
    %get3A_23 = vector.load %arg0[%get3A_21, %get3A_22] : memref<8x20000xf32, #tpu.memory_space<vmem>>, vector<8x20000xf32>
    %rsqrt3A_24 = math.rsqrt %get3A_23 : vector<8x20000xf32>
    %rsqrt3A_25 = math.rsqrt %rsqrt3A_24 : vector<8x20000xf32>
    %get3A_26 = arith.constant 0 : index
    %get3A_27 = arith.constant 0 : index
    %get3A_28 = vector.load %arg1[%get3A_26, %get3A_27] : memref<8x20000xf32, #tpu.memory_space<vmem>>, vector<8x20000xf32>
    %mul3A_29 = arith.mulf %rsqrt3A_25, %get3A_28 : vector<8x20000xf32>
    %concatenate3A = tpu.concatenate %mul3A_29, %rsqrt3A_25, %get3A_28 in 0 : vector<8x20000xf32>, vector<8x20000xf32>, vector<8x20000xf32> -> vector<24x20000xf32>
    %convert_element_type3A_30 = arith.truncf %concatenate3A : vector<24x20000xf32> to vector<24x20000xbf16>
    %convert_element_type3A_31 = arith.extf %convert_element_type3A_30 : vector<24x20000xbf16> to vector<24x20000xf32>
    %sub3A = arith.subf %concatenate3A, %convert_element_type3A_31 : vector<24x20000xf32>
    %convert_element_type3A_32 = arith.truncf %sub3A : vector<24x20000xf32> to vector<24x20000xbf16>
    %convert_element_type3A_33 = arith.truncf %rsqrt3A_16 : vector<64x20000xf32> to vector<64x20000xbf16>
    %convert_element_type3A_34 = arith.extf %convert_element_type3A_33 : vector<64x20000xbf16> to vector<64x20000xf32>
    %sub3A_35 = arith.subf %rsqrt3A_16, %convert_element_type3A_34 : vector<64x20000xf32>
    %convert_element_type3A_36 = arith.truncf %sub3A_35 : vector<64x20000xf32> to vector<64x20000xbf16>
    %concatenate3A_37 = tpu.concatenate %convert_element_type3A_30, %convert_element_type3A_32 in 0 : vector<24x20000xbf16>, vector<24x20000xbf16> -> vector<48x20000xbf16>
    %convert_element_type3A_38 = arith.truncf %convert_element_type3A_20 : vector<64x20000xf32> to vector<64x20000xbf16>
    %concatenate3A_39 = tpu.concatenate %convert_element_type3A_33, %convert_element_type3A_38, %convert_element_type3A_36 in 0 : vector<64x20000xbf16>, vector<64x20000xbf16>, vector<64x20000xbf16> -> vector<192x20000xbf16>
    %dot_general3A = arith.constant dense<0.000000e+00> : vector<48x192xf32>
    %dot_general3A_40 = tpu.matmul %concatenate3A_37, %concatenate3A_39, %dot_general3A {dimension_numbers = #tpu.dot_dimension_numbers<[1], [1], [0], [0], [0, 0, 1, 0], [], []>, transpose_lhs_hint = false} : vector<48x20000xbf16>, vector<192x20000xbf16>, vector<48x192xf32> -> vector<48x192xf32>
    %slice3A = vector.extract_strided_slice %dot_general3A_40 {offsets = [0, 0], sizes = [24, 192], strides = [1, 1]} : vector<48x192xf32> to vector<24x192xf32>
    %slice3A_41 = vector.extract_strided_slice %dot_general3A_40 {offsets = [24, 0], sizes = [24, 192], strides = [1, 1]} : vector<48x192xf32> to vector<24x192xf32>
    %add3A = arith.addf %slice3A, %slice3A_41 : vector<24x192xf32>
    %slice3A_42 = vector.extract_strided_slice %add3A {offsets = [0, 0], sizes = [8, 64], strides = [1, 1]} : vector<24x192xf32> to vector<8x64xf32>
    %slice3A_43 = vector.extract_strided_slice %dot_general3A_40 {offsets = [0, 128], sizes = [8, 64], strides = [1, 1]} : vector<48x192xf32> to vector<8x64xf32>
    %add3A_44 = arith.addf %slice3A_42, %slice3A_43 : vector<8x64xf32>
    %slice3A_45 = vector.extract_strided_slice %add3A {offsets = [8, 0], sizes = [8, 64], strides = [1, 1]} : vector<24x192xf32> to vector<8x64xf32>
    %slice3A_46 = vector.extract_strided_slice %dot_general3A_40 {offsets = [8, 128], sizes = [8, 64], strides = [1, 1]} : vector<48x192xf32> to vector<8x64xf32>
    %add3A_47 = arith.addf %slice3A_45, %slice3A_46 : vector<8x64xf32>
    %slice3A_48 = vector.extract_strided_slice %add3A {offsets = [16, 64], sizes = [8, 64], strides = [1, 1]} : vector<24x192xf32> to vector<8x64xf32>
    %reduce_sum3A_49 = arith.constant dense<0.000000e+00> : vector<64xf32>
    %reduce_sum3A_50 = vector.multi_reduction <add>, %convert_element_type3A_20, %reduce_sum3A_49 [1] : vector<64x20000xf32> to vector<64xf32>
    %broadcast_in_dim3A_51 = vector.shape_cast %reduce_sum3A_50 : vector<64xf32> to vector<1x64xf32>
    %add3A_52 = arith.constant 1.000000e-10 : f32
    %add3A_53 = vector.broadcast %add3A_52 : f32 to vector<8x64xf32>
    %add3A_54 = arith.addf %add3A_47, %add3A_53 : vector<8x64xf32>
    %div3A_55 = arith.divf %add3A_44, %add3A_54 : vector<8x64xf32>
    %gt3A = arith.constant 9.99999993E-9 : f32
    %gt3A_56 = vector.broadcast %gt3A : f32 to vector<1x64xf32>
    %gt3A_57 = arith.cmpf ogt, %broadcast_in_dim3A_51, %gt3A_56 : vector<1x64xf32>
    %add3A_58 = arith.constant 1.000000e-10 : f32
    %add3A_59 = vector.broadcast %add3A_58 : f32 to vector<1x64xf32>
    %add3A_60 = arith.addf %broadcast_in_dim3A_51, %add3A_59 : vector<1x64xf32>
    %div3A_61 = vector.broadcast %add3A_60 : vector<1x64xf32> to vector<8x64xf32>
    %div3A_62 = arith.divf %slice3A_48, %div3A_61 : vector<8x64xf32>
    %jit3A = arith.constant 0.000000e+00 : f32
    %broadcast_in_dim3A_63 = vector.shape_cast %gt3A_57 : vector<1x64xi1> to vector<1x64xi1>
    %broadcast_in_dim3A_64 = vector.broadcast %broadcast_in_dim3A_63 : vector<1x64xi1> to vector<8x64xi1>
    %broadcast_in_dim3A_65 = vector.broadcast %jit3A : f32 to vector<8x64xf32>
    %select_n3A_66 = arith.select %broadcast_in_dim3A_64, %div3A_62, %broadcast_in_dim3A_65 : vector<8x64xi1>, vector<8x64xf32>
    %sub3A_67 = arith.subf %div3A_55, %select_n3A_66 : vector<8x64xf32>
    %div3A_68 = arith.constant 2.000000e+04 : f32
    %div3A_69 = vector.broadcast %div3A_68 : f32 to vector<8x64xf32>
    %div3A_70 = arith.divf %sub3A_67, %div3A_69 : vector<8x64xf32>
    %swap3A = arith.constant 0 : index
    %swap3A_71 = arith.constant 0 : index
    %swap3A_72 = vector.load %arg3[%swap3A, %swap3A_71] : memref<8x64xf32, #tpu.memory_space<vmem>>, vector<8x64xf32>
    tpu.vector_store %arg3[%swap3A, %swap3A_71], %div3A_70 {strides = array<i32>} : memref<8x64xf32, #tpu.memory_space<vmem>>, vector<8x64xf32>,
    return
  }
}

</mosaic_0001>

<sc_bundles>
// kernel: kernel.4.cloned.1.call-start
scs
__scs_entry_jumppad:
0x0: {  	(pc) =	sbr.rel $0x88, $3  }
0x1: {  	(tag) =	ssettag $0x0;
	lr =	simm.s32 $0x1  }
0x2: {  	[smem:$0x3F9E] =	sst lr;
	_ =	strace $0xD0000000  }
0x3: {  	_ = 	snop  }
0x4: {  	_ = 	snop  }
0x5: {  	_ = 	snop  }
0x6: {  	_ = 	snop  }
0x7: {  	_ = 	snop  }
__scs_overlays_trampoline_lowered:
0x8: {  	[smem:$0x3FAD] =	sst s0  }
0x9: {  	[smem:$0x3FAE] =	sst s1  }
0xa: {  	[smem:$0x3FAF] =	sst s2  }
0xb: {  	[smem:$0x3FB0] =	sst s3  }
0xc: {  	[smem:$0x3FB1] =	sst s4  }
0xd: {  	[smem:$0x3FB2] =	sst s5  }
0xe: {  	[smem:$0x3FB3] =	sst s6  }
0xf: {  	[smem:$0x3FB4] =	sst s7  }
0x10: {  	[smem:$0x3FB5] =	sst s8  }
0x11: {  	[smem:$0x3FB6] =	sst s9;
	s0 =	simm.s32 @!p0 $0x0  }
0x12: {  	s1 =	sld [smem:$0x3F9C];
	s0 =	simm.s32 @p0 $0x1  }
0x13: {  	[smem:$0x3FB7] =	sst s0;
	s0 =	simm.s32 @!p1 $0x0  }
0x14: {  	s2 =	sld [smem:$0x3F9B];
	s0 =	simm.s32 @p1 $0x1  }
0x15: {  	[smem:$0x3FB8] =	sst s0;
	s0 =	simm.s32 @!p2 $0x0  }
0x16: {  	s3 =	sld [smem:$0x3FDB];
	s0 =	simm.s32 @p2 $0x1  }
0x17: {  	s4 =	simm.s32 $0x1BF5;
	[smem:$0x3FBA] =	sst s0  }
0x18: {  	s0 =	sld [smem:$0x3F9D];
	_ =	swait.ge [sflag:s4], $0x0  }
0x19: {  	s7 =	sld [smem:$0x3F9E]  }
0x1a: {  	s8 =	sadd.s32 $0xFFFFE003, lr  }
0x1b: {  	s9 =	sadd.s32 $0xFFFFFEF7, lr;
	s5 =	simm.s32 $0xFFFFFFFF;
	p2 =	slt.u32 s8, $0xFFFFF086  }
0x1c: {  	p1 =	slt.u32 s9, $0xF7A;
	s5 =	simm.s32 @!p2 $0x0  }
0x1d: {  	s5 =	simm.s32 @p1 $0x1;
	p0 =	seq.s32 s7, s2  }
0x1e: {  	s7 =	smul.u32 @!p0 $0xF7A, s2;
	p2 =	seq.s32 @!p0 s5, $0x0  }
0x1f: {  	s9 =	smul.u32 $0xF7A, s1;
	s8 =	simm.s32 @!p0 $0x1BF5;
	p2 =	por !p2, p0  }
0x20: {  	[sflag:s8] =	ssyncset.s32 @!p0 $0xFFFFF086;
	s6 =	sadd.s32 @!p0 s3, s7;
	s7 =	simm.s32 @!p0 $0x108  }
0x21: {  	s3 =	sadd.s32 s3, s9;
	s6 =	sadd.s32 @!p0 $0x88, s6;
	s7 =	simm.s32 @p2 $0x1082  }
0x22: {  	[simem:s7], [sflag:s8] =	dma.local @!p0 [hbm:s6], $0xF7A  }
0x23: {  	s9 =	sor.u32 $0xD0000000, s2;
	s6 =	simm.s32 $0x108;
	_ =	swait.ge @!p0 [sflag:s8], $0x0  }
0x24: {  	s3 =	sadd.s32 $0x88, s3;
	s6 =	simm.s32 @!p1 $0x1082;
	[sflag:s4] =	ssyncset.s32 $0xFFFFF086  }
0x25: {  	[simem:s6], [sflag:s4] =	dma.local [hbm:s3], $0xF7A  }
0x26: {  	[smem:$0x3F9E] =	sst s1;
	(tag) =	ssettag s2;
	_ =	strace s9  }
0x27: {  	s1 =	sld [smem:$0x3FAE]  }
0x28: {  	s2 =	sld [smem:$0x3FAF]  }
0x29: {  	s4 =	sld [smem:$0x3FB1]  }
0x2a: {  	p0 =	seq.s32 s5, $0x0;
	s5 =	sld [smem:$0x3FB2]  }
0x2b: {  	s6 =	sld [smem:$0x3FB3]  }
0x2c: {  	s7 =	sld [smem:$0x3FB4]  }
0x2d: {  	s3 =	simm.s32 $0x108;
	s8 =	sld [smem:$0x3FB5]  }
0x2e: {  	s3 =	simm.s32 @!p0 $0x1082;
	s9 =	sld [smem:$0x3FB6]  }
0x2f: {  	lr =	sadd.s32 s0, s3;
	s0 =	sld [smem:$0x3FAD]  }
0x30: {  	s3 =	sld [smem:$0x3FB0]  }
0x31: {  	[smem:$0x3FB9] =	sst s10  }
0x32: {  	s10 =	sld [smem:$0x3FB7];
	_ =	sdelay $0x3  }
0x33: {  	p0 =	seq.s32 s10, $0x1;
	s10 =	sld [smem:$0x3FB9];
	_ =	sdelay $0x3  }
0x34: {  	[smem:$0x3FB9] =	sst s10  }
0x35: {  	s10 =	sld [smem:$0x3FB8];
	_ =	sdelay $0x3  }
0x36: {  	p1 =	seq.s32 s10, $0x1;
	s10 =	sld [smem:$0x3FB9];
	_ =	sdelay $0x3  }
0x37: {  	[smem:$0x3FB9] =	sst s10  }
0x38: {  	s10 =	sld [smem:$0x3FBA]  }
0x39: {  	_ = 	snop;
	(pc) =	sbr.ind lr, $3  }
0x3a: {  	_ = 	snop  }
0x3b: {  	_ = 	snop  }
0x3c: {  	p2 =	seq.s32 s10, $0x1;
	s10 =	sld [smem:$0x3FB9]  }
0x3d: {  	_ =	shalt  }
0x3e: {  	_ =	shalt  }
0x3f: {  	_ =	shalt  }
0x40: {  	_ =	shalt  }
0x41: {  	_ =	shalt  }
0x42: {  	_ =	shalt  }
0x43: {  	_ =	shalt  }
0x44: {  	_ =	shalt  }
0x45: {  	_ =	shalt  }
0x46: {  	_ =	shalt  }
0x47: {  	_ =	shalt  }
0x48: {  	_ =	shalt  }
0x49: {  	_ =	shalt  }
0x4a: {  	_ =	shalt  }
0x4b: {  	_ =	shalt  }
0x4c: {  	_ =	shalt  }
0x4d: {  	_ =	shalt  }
0x4e: {  	_ =	shalt  }
0x4f: {  	_ =	shalt  }
0x50: {  	_ =	shalt  }
0x51: {  	_ =	shalt  }
0x52: {  	_ =	shalt  }
0x53: {  	_ =	shalt  }
0x54: {  	_ =	shalt  }
0x55: {  	_ =	shalt  }
0x56: {  	_ =	shalt  }
0x57: {  	_ =	shalt  }
0x58: {  	_ =	shalt  }
0x59: {  	_ =	shalt  }
0x5a: {  	_ =	shalt  }
0x5b: {  	_ =	shalt  }
0x5c: {  	_ =	shalt  }
0x5d: {  	_ =	shalt  }
0x5e: {  	_ =	shalt  }
0x5f: {  	_ =	shalt  }
0x60: {  	_ =	shalt  }
0x61: {  	_ =	shalt  }
0x62: {  	_ =	shalt  }
0x63: {  	_ =	shalt  }
0x64: {  	_ =	shalt  }
0x65: {  	_ =	shalt  }
0x66: {  	_ =	shalt  }
0x67: {  	_ =	shalt  }
0x68: {  	_ =	shalt  }
0x69: {  	_ =	shalt  }
0x6a: {  	_ =	shalt  }
0x6b: {  	_ =	shalt  }
0x6c: {  	_ =	shalt  }
0x6d: {  	_ =	shalt  }
0x6e: {  	_ =	shalt  }
0x6f: {  	_ =	shalt  }
0x70: {  	_ =	shalt  }
0x71: {  	_ =	shalt  }
0x72: {  	_ =	shalt  }
0x73: {  	_ =	shalt  }
0x74: {  	_ =	shalt  }
0x75: {  	_ =	shalt  }
0x76: {  	_ =	shalt  }
0x77: {  	_ =	shalt  }
0x78: {  	_ =	shalt  }
0x79: {  	_ =	shalt  }
0x7a: {  	_ =	shalt  }
0x7b: {  	_ =	shalt  }
0x7c: {  	_ =	shalt  }
0x7d: {  	_ =	shalt  }
0x7e: {  	_ =	shalt  }
0x7f: {  	_ =	shalt  }
0x80: {  	_ =	shalt  }
0x81: {  	_ =	shalt  }
0x82: {  	_ =	shalt  }
0x83: {  	_ =	shalt  }
0x84: {  	_ =	shalt  }
0x85: {  	_ =	shalt  }
0x86: {  	_ =	shalt  }
0x87: {  	_ =	shalt  }
.Lfunc_end0:
.L_simem_size_0:
called_computation_lowered:
.L_overlay_start_0:
0x88: {  	s0 =	sld [smem:$0x3FD9]  }
0x89: {  	s1 =	sld [smem:$0x3FFE];
	_ =	sdelay $0x3  }
0x8a: {  	s0 =	sadd.s32 s1, s0  }
0x8b: {  	[smem:$0x3FC5] =	sst s0  }
0x8c: {  	_ = 	snop  }
0x8d: {  	s0 =	sld [smem:$0x3FC8];
	(tm) =	ssettm $0x1  }
0x8e: {  	s16 =	sld [smem:$0x3FFB];
	_ =	sdelay $0x3  }
0x8f: {  	_ =	strace s16  }
0x90: {  	s1 =	sld [smem:$0x3FFC];
	_ =	sdelay $0x3  }
0x91: {  	_ =	strace s1  }
0x92: {  	s1 =	sld [smem:$0x3FFD];
	_ =	sdelay $0x3  }
0x93: {  	_ =	strace s1  }
0x94: {  	_ =	strace $0x8FFFFFFF  }
0x95: {  	s17 =	sld [smem:$0x3FDB];
	_ =	sdelay $0x1  }
0x96: {  	s2 =	simm.s32 $_scs_section_size  }
0x97: {  	s3 =	simm.s32 $_size__tile_overlayer_lowered;
	s4 =	simm.s32 $_tile_overlayer_lowered  }
0x98: {  	s20 =	simm.s32 $0x1BFF;
	s19 =	sshll.u32 s4, $0x1;
	s1 =	sadd.s32 s2, s17  }
0x99: {  	s5 =	simm.s32 $0x0;
	s18 =	sshll.u32 s3, $0x1;
	s3 =	sadd.s32 s19, s1  }
0x9a: {  	[timem:s5], [sflag:s20] =	dma.local [hbm:s3], s18  }
0x9b: {  	_ =	swait.ge [sflag:s20], s18  }
0x9c: {  	s2 =	ssub.s32 $0x0, s18;
	[sflag:s20] =	ssyncset.done $0x0  }
0x9d: {  	[sflag:s20] =	ssyncadd.s32 s2;
	_ =	sdelay $0x1  }
0x9e: {  	s21 =	simm.s32 $0x1B8B  }
0x9f: {  	_ =	swait.ge [sflag:s21], $0x1  }
0xa0: {  	[sflag:s21] =	ssyncset.done $0x0  }
0xa1: {  	s23 =	simm.s32 $0x1B8E;
	s22 =	sld [smem:$0x3FFE];
	[sflag:s21] =	ssyncadd.s32 $0xFFFFFFFF  }
0xa2: {  	s24 =	simm.s32 $execute0_lowered;
	[smem:$0x3FD2] =	sst s23  }
0xa3: {  	s3 =	sshll.u32 s24, $0x1;
	_ =	strace $0x80000046;
	[dreg:$0x1] =	wrdreg $0xFFFFFFFF  }
0xa4: {  	s25 =	simm.s32 $_size_execute0_lowered;
	s1 =	sadd.s32 s1, s3;
	[dreg:$0x0] =	wrdreg $0x0  }
0xa5: {  	s3 =	sshll.u32 s25, $0x1;
	[dreg:$0x2] =	wrdreg s1  }
0xa6: {  	[dreg:$0x3] =	wrdreg s3  }
0xa7: {  	[dreg:$0x4] =	wrdreg $0xC0  }
0xa8: {  	_ =	task [dreg:s5], $0x5FFFF  }
0xa9: {  	[dreg:$0x1] =	wrdreg $0xFFFFFFFF  }
0xaa: {  	[dreg:$0x0] =	wrdreg $0x60  }
0xab: {  	[dreg:$0x2] =	wrdreg s0  }
0xac: {  	[dreg:$0x3] =	wrdreg s22  }
0xad: {  	[dreg:$0x4] =	wrdreg $0x9  }
0xae: {  	_ =	task.clear_ibuf [dreg:s5], $0x5FFFF;
	_ =	strace $0x90000046  }
0xaf: {  	s26 =	simm.s32 $0x9;
	_ =	strace $0x80000048  }
0xb0: {  	_ =	swait.ge [sflag:s26], $0x1  }
0xb1: {  	[sflag:s26] =	ssyncadd.s32 $0xFFFFFFFF  }
0xb2: {  	_ =	strace $0x90000048  }
0xb3: {  	_ =	sfence  }
0xb4: {  	s28 =	sld [smem:$0x0];
	_ =	sdelay $0x1  }
0xb5: {  	s29 =	srdreg.scid  }
0xb6: {  	s30 =	sshll.u32 s29, $0xD;
	s31 =	sshrl.u32 s29, $0x2  }
0xb7: {  	s2 =	sand.u32 $0x4000, s30;
	s1 =	sand.u32 $0x1, s29;
	s0 =	sadd.s32 s31, s28  }
0xb8: {  	s1 =	sor.u32 s2, s1;
	s0 =	sshll.u32 s0, $0x11  }
0xb9: {  	s0 =	sor.u32 s0, s1  }
0xba: {  	s0 =	sadd.s32 $0x8F2B, s0  }
0xbb: {  	[sflag:s0] =	ssyncadd.remote.s32 $0x1  }
0xbc: {  	_ =	sfence.sel $0xFFFF  }
0xbd: {  	[dreg:$0x0] =	wrdreg $0xFFFFFFFF;
	(pc) =	sbr.abs _section_cstart, $3  }
0xbe: {  	[dreg:$0x1] =	wrdreg $0xFFFFFFFF  }
0xbf: {  	_ =	task.clear_ibuf [dreg:s5], $0x2FFFF;
	_ =	strace $0x9FFFFFFF  }
0xc0: {  	(tm) =	ssettm $0x7FFFFFFF  }
0xc1: {  	_ =	shalt  }
tec
execute0_lowered:
.L_overlay_start_1:
0x0: {  	(tag) =	ssettag $0x1  }
0x1: {  	s1 =	stileid.u32  }
0x2: {  	p0 =	sgt.u32 s1, $0x7  }
.Ltmp0:
0x3: {  	_ = 	snop;
	(pc) =	sbr.rel @p0 .LBB2_6-.Ltmp0, $4  }
0x4: {  	s2 =	rddreg [dreg:$0x0]  }
0x5: {  	s4 =	rddreg [dreg:$0x1];
	s3 =	simm.s32 $0x0  }
0x6: {  	[smem:$0x7FF] =	sst s3  }
0x7: {  	s0 =	rddreg [dreg:$0x2];
	_ =	strace $0x80000047  }
0x8: {  	s5 =	sshll.u32 s1, $0x4;
	s6 =	simm.s32 $0x80  }
0x9: {  	s7 =	simm.s32 $0x400;
	s18 =	simm.s32 $0x1;
	s2 =	sadd.s32 s2, s5  }
0xa: {  	[tilespmem:s3], [sflag:$0x1] =	stream.strided.gather [hbm4b:s2+s6], $0x4E80, s7, s6, $0x38;
	[tilespmem:$0x9D00] =	vst v63  }
0xb: {  	_ =	swait.ge [sflag:s18], $0x4E80  }
0xc: {  	[sflag:s18] =	ssyncset.done $0x0  }
0xd: {  	[sflag:s18] =	ssyncadd.s32 $0xFFFFB180  }
0xe: {  	v1 =	vld [tilespmem:s6+$0x10]  }
0xf: {  	v2 =	vld [tilespmem:s6+$0xFFFFFF80]  }
0x10: {  	v0 =	vlaneseq.u32;
	v3 =	vld [tilespmem:s6+$0x70]  }
0x11: {  	v0 =	vmul.u32 $0xFFFFFFFF, v0;
	v10 =	vld [tilespmem:s6+$0x40]  }
0x12: {  	s19 =	simm.s32 $0x4D90;
	v8 =	vld [tilespmem:s6+$0x60]  }
0x13: {  	s20 =	simm.s32 $0x4E20;
	v4 =	vadd.s32 s19, v0;
	v9 =	vld [tilespmem:s6+$0x50]  }
0x14: {  	s3 =	simm.s32 $0x4D30;
	v5 =	vadd.s32 s20, v0;
	v4 =	vcvt.s32.f32 v4;
	v12 =	vld [tilespmem:s6+$0xFFFFFFE0]  }
0x15: {  	s22 =	simm.s32 $0x4D60;
	s2 =	simm.s32 $0x4E80;
	v7 =	vadd.s32 s3, v0;
	v6 =	vcvt.s32.f32 v5;
	v11 =	vld [tilespmem:s6+$0x30]  }
0x16: {  	s21 =	simm.s32 $0x4D40;
	v13 =	vadd.s32 s22, v0;
	v7 =	vcvt.s32.f32 v7;
	v5 =	vld [tilespmem:s6+$0xFFFFFFD0];
	[tilespmem:v1+s2+$0x0] =	vst.idx.msk $0xffff, v4  }
0x17: {  	s8 =	simm.s32 $0x4D50;
	v13 =	vcvt.s32.f32 v13;
	v1 =	vadd.s32 s21, v0;
	[tilespmem:v2+s2+$0x0] =	vst.idx.msk $0xffff, v6;
	v6 =	vld [tilespmem:s6+$0xFFFFFFF0]  }
0x18: {  	s25 =	simm.s32 $0x4DC0;
	v2 =	vadd.s32 s8, v0;
	v4 =	vld [tilespmem:s6+$0xFFFFFFC0];
	[tilespmem:v3+s2+$0x0] =	vst.idx.msk $0xffff, v7;
	v1 =	vcvt.s32.f32 v1  }
0x19: {  	s23 =	simm.s32 $0x4D70;
	v14 =	vadd.s32 s25, v0;
	v7 =	vld [tilespmem:s6+$0x0];
	[tilespmem:v10+s2+$0x0] =	vst.idx.msk $0xffff, v13;
	v2 =	vcvt.s32.f32 v2  }
0x1a: {  	s29 =	simm.s32 $0x4DD0;
	s30 =	simm.s32 $0x4DB0;
	v16 =	vcvt.s32.f32 v14;
	v3 =	vadd.s32 s23, v0;
	[tilespmem:v8+s2+$0x0] =	vst.idx.msk $0xffff, v1;
	v8 =	vld [tilespmem:s6+$0x20]  }
0x1b: {  	s24 =	simm.s32 $0x4E10;
	s28 =	simm.s32 $0x4E00;
	s31 =	simm.s32 $0x4DE0;
	v17 =	vadd.s32 s30, v0;
	v13 =	vadd.s32 s29, v0;
	v15 =	vcvt.s32.f32 v3;
	[tilespmem:v9+s2+$0x0] =	vst.idx.msk $0xffff, v2;
	v9 =	vld [tilespmem:s6+$0xFFFFFFB0]  }
0x1c: {  	s26 =	simm.s32 $0x4DF0;
	s4 =	sadd.s32 s5, s4;
	s5 =	simm.s32 $0x0;
	v14 =	vadd.s32 s31, v0;
	v10 =	vld [tilespmem:s6+$0xFFFFFFA0];
	[tilespmem:v12+s2+$0x0] =	vst.idx.msk $0xffff, v16;
	v3 =	vadd.s32 s28, v0;
	v13 =	vcvt.s32.f32 v13  }
0x1d: {  	s4 =	sadd.s32 $0xA00, s4;
	s7 =	simm.s32 $0x4DA0;
	v12 =	vcvt.s32.f32 v17;
	v1 =	vadd.s32 s24, v0;
	v2 =	vadd.s32 s26, v0;
	[tilespmem:v11+s2+$0x0] =	vst.idx.msk $0xffff, v15;
	v11 =	vld [tilespmem:s6+$0xFFFFFF90];
	s6 =	simm.s32 $0x180  }
.LBB2_2:
0x1e: {  	v15 =	vld [tilespmem:s6+$0x10];
	s5 =	sadd.s32 $0x10, s5;
	v14 =	vcvt.s32.f32 v14;
	[tilespmem:v5+s2+$0x0] =	vst.idx.msk $0xffff, v13;
	v5 =	vadd.s32 s7, v0;
	s7 =	sadd.s32 $0x50, s3;
	s3 =	sadd.s32 $0xFFFFFF00, s3  }
0x1f: {  	v13 =	vld [tilespmem:s6+$0xFFFFFF80];
	s8 =	sadd.s32 $0xE0, s3;
	s9 =	sadd.s32 $0xC0, s3;
	p0 =	slt.u32 s5, $0x4D0;
	[tilespmem:v6+s2+$0x0] =	vst.idx.msk $0xffff, v12;
	v5 =	vcvt.s32.f32 v5;
	v6 =	vadd.s32 s7, v0  }
0x20: {  	s7 =	sadd.s32 $0xD0, s3;
	v12 =	vadd.s32 s8, v0;
	v16 =	vadd.s32 s9, v0;
	v17 =	vld [tilespmem:s6+$0x70];
	[tilespmem:v4+s2+$0x0] =	vst.idx.msk $0xffff, v14;
	v4 =	vcvt.s32.f32 v6  }
0x21: {  	v18 =	vcvt.s32.f32 v2;
	v6 =	vadd.s32 s7, v0;
	v14 =	vld [tilespmem:s6+$0x60];
	[tilespmem:v7+s2+$0x0] =	vst.idx.msk $0xffff, v5;
	v2 =	vmov v16  }
0x22: {  	s7 =	sadd.s32 $0x60, s3;
	v5 =	vcvt.s32.f32 v1;
	v7 =	vcvt.s32.f32 v3;
	v1 =	vmovc v12;
	v3 =	vmov v6;
	v16 =	vld [tilespmem:s6+$0x50];
	[tilespmem:v8+s2+$0x0] =	vst.idx.msk $0xffff, v4  }
0x23: {  	s8 =	sadd.s32 $0xF0, s3;
	v4 =	vadd.s32 s7, v0;
	v12 =	vld [tilespmem:s6+$0x40];
	[tilespmem:v9+s2+$0x0] =	vst.idx.msk $0xffff, v18  }
0x24: {  	v6 =	vadd.s32 s8, v0;
	v4 =	vcvt.s32.f32 v4;
	v18 =	vld [tilespmem:s6+$0x30];
	[tilespmem:v10+s2+$0x0] =	vst.idx.msk $0xffff, v7  }
0x25: {  	v6 =	vcvt.s32.f32 v6;
	s7 =	sadd.s32 $0x10, s3;
	v7 =	vadd.s32 s3, v0;
	v19 =	vld [tilespmem:s6+$0xFFFFFFE0];
	[tilespmem:v11+s2+$0x0] =	vst.idx.msk $0xffff, v5  }
0x26: {  	s8 =	sadd.s32 $0x20, s3;
	v7 =	vcvt.s32.f32 v7;
	v5 =	vld [tilespmem:s6+$0xFFFFFFD0];
	[tilespmem:v15+s2+$0x0] =	vst.idx.msk $0xffff, v4;
	v4 =	vadd.s32 s7, v0  }
0x27: {  	v8 =	vadd.s32 s8, v0;
	s7 =	sadd.s32 $0x30, s3;
	[tilespmem:v13+s2+$0x0] =	vst.idx.msk $0xffff, v6;
	v6 =	vld [tilespmem:s6+$0xFFFFFFF0];
	v9 =	vcvt.s32.f32 v4  }
0x28: {  	s8 =	sadd.s32 $0x40, s3;
	v11 =	vcvt.s32.f32 v8;
	v10 =	vadd.s32 s7, v0;
	v4 =	vld [tilespmem:s6+$0xFFFFFFC0];
	[tilespmem:v17+s2+$0x0] =	vst.idx.msk $0xffff, v7  }
.Ltmp1:
0x29: {  	s7 =	sadd.s32 $0x90, s3;
	v13 =	vadd.s32 s8, v0;
	v10 =	vcvt.s32.f32 v10;
	v7 =	vld [tilespmem:s6+$0x0];
	[tilespmem:v14+s2+$0x0] =	vst.idx.msk $0xffff, v9;
	(pc) =	sbr.rel @p0 .LBB2_2-.Ltmp1, $4  }
0x2a: {  	s8 =	sadd.s32 $0xA0, s3;
	v15 =	vcvt.s32.f32 v13;
	v14 =	vadd.s32 s7, v0;
	v8 =	vld [tilespmem:s6+$0x20];
	[tilespmem:v16+s2+$0x0] =	vst.idx.msk $0xffff, v11  }
0x2b: {  	s7 =	sadd.s32 $0x80, s3;
	v11 =	vadd.s32 s8, v0;
	v16 =	vcvt.s32.f32 v14;
	v9 =	vld [tilespmem:s6+$0xFFFFFFB0];
	[tilespmem:v12+s2+$0x0] =	vst.idx.msk $0xffff, v10  }
0x2c: {  	s8 =	sadd.s32 $0xB0, s3;
	v13 =	vcvt.s32.f32 v11;
	v12 =	vadd.s32 s7, v0;
	v10 =	vld [tilespmem:s6+$0xFFFFFFA0];
	[tilespmem:v18+s2+$0x0] =	vst.idx.msk $0xffff, v15  }
0x2d: {  	v14 =	vadd.s32 s8, v0;
	s7 =	sadd.s32 $0x70, s3;
	v12 =	vcvt.s32.f32 v12;
	v11 =	vld [tilespmem:s6+$0xFFFFFF90];
	[tilespmem:v19+s2+$0x0] =	vst.idx.msk $0xffff, v16;
	s6 =	sadd.s32 $0x100, s6  }
0x2e: {  	_ =	sdelay $0x3  }
0x2f: {  	v14 =	vcvt.s32.f32 v14;
	[tilespmem:v5+s2+$0x0] =	vst.idx.msk $0xffff, v13  }
0x30: {  	v63 =	vadd.s32 s7, v0;
	s3 =	sadd.s32 $0x50, s3;
	v2 =	vcvt.s32.f32 v2;
	[tilespmem:v6+s2+$0x0] =	vst.idx.msk $0xffff, v12  }
0x31: {  	v5 =	vcvt.s32.f32 v63;
	v0 =	vadd.s32 s3, v0;
	[tilespmem:v4+s2+$0x0] =	vst.idx.msk $0xffff, v14  }
0x32: {  	v0 =	vcvt.s32.f32 v0;
	[tilespmem:v9+s2+$0x0] =	vst.idx.msk $0xffff, v2  }
0x33: {  	v3 =	vcvt.s32.f32 v3;
	[tilespmem:v7+s2+$0x0] =	vst.idx.msk $0xffff, v5  }
0x34: {  	[tilespmem:v8+s2+$0x0] =	vst.idx.msk $0xffff, v0;
	v0 =	vcvt.s32.f32 v1  }
0x35: {  	[tilespmem:v10+s2+$0x0] =	vst.idx.msk $0xffff, v3;
	v1 =	vlaneseq.u32  }
0x36: {  	s5 =	simm.s32 $0x4E80;
	s3 =	simm.s32 $0x4E00;
	[tilespmem:v11+s2+$0x0] =	vst.idx.msk $0xffff, v0;
	s2 =	simm.s32 $0x20;
	v0 =	vmul.u32 $0xFFFFFFFF, v1  }
.LBB2_4:
0x37: {  	v1 =	vld [tilespmem:s3+$0x0];
	_ =	sdelay $0x2  }
0x38: {  	p0 =	sne.s32 s2, $0x10  }
.Ltmp2:
0x39: {  	_ = 	snop;
	(pc) =	sbr.rel @p0 .LBB2_4-.Ltmp2, $3  }
0x3a: {  	v2 =	vadd.s32 s2, v0  }
0x3b: {  	v2 =	vcvt.s32.f32 v2;
	_ =	sdelay $0x1  }
0x3c: {  	s3 =	sadd.s32 $0x10, s3;
	s2 =	sadd.s32 $0xFFFFFFF0, s2;
	[tilespmem:v1+s5+$0x0] =	vst.idx.msk $0xffff, v2  }
0x3d: {  	s2 =	simm.s32 $0x80  }
0x3e: {  	s3 =	simm.s32 $0x400;
	s5 =	simm.s32 $0x4E80;
	s31 =	simm.s32 $0x1  }
0x3f: {  	[hbm4b:s4+s2] =	stream.strided.scatter [tilespmem:s5], [sflag:$0x1], $0x4E80, s3, s2, $0x38;
	[tilespmem:$0x9D00] =	vst v63  }
0x40: {  	_ =	swait.ge [sflag:s31], $0x4E80  }
0x41: {  	[sflag:s31] =	ssyncset.done $0x0  }
0x42: {  	[sflag:s31] =	ssyncadd.s32 $0xFFFFB180  }
.LBB2_6:
0x43: {  	_ =	sfence.sel $0x180000  }
0x44: {  	[bflag:$0x0] =	sbarrier.arrive $0xFFFF  }
0x45: {  	p0 =	sne.s32 s1, $0x0;
	_ =	strace $0x90000047  }
0x46: {  	s0 =	sadd.s32 @!p0 $0x100000, s0;
	[bflag:$0x2] =	sbarrier.arrive $0xFFFF  }
0x47: {  	[sflag:s0] =	ssyncadd.tile.s32 @!p0 $0x1;
	_ =	shalt  }
.Lfunc_end2:
_tile_overlayer_lowered:
.L_overlay_start_2:
0x48: {  	(tag) =	ssettag $0x2  }
0x49: {  	s0 =	rddreg [dreg:$0x0];
	s2 =	stileid.u32  }
0x4a: {  	s1 =	rddreg [dreg:$0x1];
	p0 =	sne.s32 s2, $0x0  }
0x4b: {  	s3 =	rddreg [dreg:$0x2];
	[bflag:$0x3] =	sbarrier.arrive $0xFFFF;
	s2 =	simm.s32 @!p0 $0x1C01  }
0x4c: {  	[timem:s3], [sflag:s2] =	dma.local @!p0 [hbm:s0], s1  }
0x4d: {  	s0 =	simm.s32 @!p0 $0x1  }
0x4e: {  	_ =	swait.ge @!p0 [sflag:s0], s1  }
0x4f: {  	s1 =	ssub.s32 @!p0 $0x0, s1;
	[sflag:s0] =	ssyncset.done @!p0 $0x0  }
0x50: {  	[sflag:s0] =	ssyncadd.s32 @!p0 s1  }
0x51: {  	[bflag:$0x3] =	sbarrier.arrive $0xFFFF  }
0x52: {  	_ =	shalt  }

</sc_bundles>
